<compile_context>
chip_gen: v7x
topology: tpu7x:2x2x1
jax: 0.10.2.dev20260603
libtpu: 0.0.44.dev20260713+nightly
codegen_flags: <defaults>
</compile_context>

<pallas_src>
import functools

import jax
import jax.numpy as jnp
from jax.experimental import pallas as pl
from jax.experimental.pallas import tpu as pltpu

N_BOXES = 20000
PRE_NMS = 12000
POST_NMS = 2000
THRESH = 0.7

B = 256
NB = (PRE_NMS + B - 1) // B
NPAD = NB * B
KCAP = 2304
CHUNK = 64

_HI = jax.lax.Precision.HIGHEST


def _nms_kernel(lanes_ref, cols_ref, im_ref, blob_ref, sco_ref, kept_ref):
    kept_ref[...] = jnp.zeros((KCAP, 8), jnp.float32)

    w = im_ref[0, 1]
    h = im_ref[0, 0]
    row4 = jax.lax.broadcasted_iota(jnp.int32, (4, 1), 0)
    hi_bound = jnp.where(row4 % 2 == 0, w - 1.0, h - 1.0)
    col8 = jax.lax.broadcasted_iota(jnp.int32, (1, 8), 1)
    colhi = jnp.where(col8 % 2 == 0, w - 1.0, h - 1.0)

    lane = jax.lax.broadcasted_iota(jnp.int32, (1, B), 1)
    row64 = jax.lax.broadcasted_iota(jnp.int32, (CHUNK, 1), 0)
    subi = jax.lax.broadcasted_iota(jnp.int32, (B, B), 0)
    lani = jax.lax.broadcasted_iota(jnp.int32, (B, B), 1)
    trif = jnp.where(subi < lani, 1.0, 0.0).astype(jnp.float32)
    subf = subi.astype(jnp.float32)

    def outer_body(state):
        b, count = state
        blk = lanes_ref[b]
        blk = jnp.minimum(jnp.maximum(blk, 0.0), hi_bound)
        bx1 = blk[0:1, :]
        by1 = blk[1:2, :]
        bx2 = blk[2:3, :]
        by2 = blk[3:4, :]
        barea = (bx2 - bx1 + 1.0) * (by2 - by1 + 1.0)

        cb = cols_ref[b]
        cb = jnp.where(col8 < 4,
                       jnp.minimum(jnp.maximum(cb, 0.0), colhi), cb)
        cx1 = cb[:, 0:1]
        cy1 = cb[:, 1:2]
        cx2 = cb[:, 2:3]
        cy2 = cb[:, 3:4]
        carea = (cx2 - cx1 + 1.0) * (cy2 - cy1 + 1.0)

        mxx1 = jnp.maximum(cx1, bx1)
        myy1 = jnp.maximum(cy1, by1)
        mxx2 = jnp.minimum(cx2, bx2)
        myy2 = jnp.minimum(cy2, by2)
        miw = jnp.maximum(0.0, mxx2 - mxx1 + 1.0)
        mih = jnp.maximum(0.0, myy2 - myy1 + 1.0)
        minter = miw * mih
        miou = minter / (carea + barea - minter)
        tm = jnp.where((miou >= THRESH) & (subi < lani), 1.0, 0.0)

        valid0 = ((b * B + lane) < PRE_NMS).astype(jnp.float32)

        nchunks = (count + CHUNK - 1) // CHUNK

        def chunk_body(c, bval):
            kc = kept_ref[pl.ds(c * CHUNK, CHUNK), :]
            kx1 = kc[:, 1:2]
            ky1 = kc[:, 2:3]
            kx2 = kc[:, 3:4]
            ky2 = kc[:, 4:5]
            karea = kc[:, 6:7]
            xx1 = jnp.maximum(kx1, bx1)
            yy1 = jnp.maximum(ky1, by1)
            xx2 = jnp.minimum(kx2, bx2)
            yy2 = jnp.minimum(ky2, by2)
            iw = jnp.maximum(0.0, xx2 - xx1 + 1.0)
            ih = jnp.maximum(0.0, yy2 - yy1 + 1.0)
            inter = iw * ih
            iou = inter / (karea + barea - inter)
            rowok = (c * CHUNK + row64) < count
            supp = jnp.where((iou >= THRESH) & rowok, 1.0, 0.0)
            supp = jnp.max(supp, axis=0, keepdims=True)
            return jnp.where(supp > 0.0, 0.0, bval)

        bvalid = jax.lax.fori_loop(0, nchunks, chunk_body, valid0)

        def rcond(st):
            kcand, _ = st
            return jnp.max(kcand) > 0.0

        def rbody(st):
            kcand, kf = st
            pred = jnp.dot(kcand, tm)
            dfin = jnp.where(pred > 0.0, 0.0, kcand)
            rsup = jnp.dot(dfin, tm)
            kcand = jnp.where((dfin + rsup) > 0.0, 0.0, kcand)
            return kcand, kf + dfin

        _, kf = jax.lax.while_loop(
            rcond, rbody, (bvalid, jnp.zeros((1, B), jnp.float32)))

        posf = jnp.dot(kf, trif)
        scat = jnp.where((jnp.broadcast_to(posf, (B, B)) == subf)
                         & (jnp.broadcast_to(kf, (B, B)) > 0.0), 1.0, 0.0)
        shifted = jnp.concatenate(
            [jnp.zeros((B, 1), jnp.float32), cb[:, 0:5], carea,
             jnp.zeros((B, 1), jnp.float32)], axis=1)
        compacted = jnp.dot(scat, shifted, precision=_HI)
        kept_ref[pl.ds(count, B), :] = compacted
        nk = jnp.sum(kf).astype(jnp.int32)
        count = jnp.minimum(count + nk, POST_NMS)
        return b + 1, count

    def outer_cond(state):
        b, count = state
        return (b < NB) & (count < POST_NMS)

    jax.lax.while_loop(outer_cond, outer_body, (jnp.int32(0), jnp.int32(0)))

    blob_ref[...] = kept_ref[0:POST_NMS, 0:5]
    sco_ref[...] = kept_ref[0:POST_NMS, 5:6]


@functools.partial(jax.jit, static_argnames=())
def kernel(boxes, scores, im_info):
    scores_sorted, order = jax.lax.top_k(scores, PRE_NMS)
    props = boxes[order]
    lanes = jnp.zeros((4, NPAD), jnp.float32).at[:, :PRE_NMS].set(props.T)
    lanes3 = lanes.reshape(4, NB, B).transpose(1, 0, 2)
    cols = jnp.zeros((NPAD, 8), jnp.float32)
    cols = cols.at[:PRE_NMS, 0:4].set(props)
    cols = cols.at[:PRE_NMS, 4].set(scores_sorted)
    cols3 = cols.reshape(NB, B, 8)

    blob, out_scores = pl.pallas_call(
        _nms_kernel,
        out_shape=[
            jax.ShapeDtypeStruct((POST_NMS, 5), jnp.float32),
            jax.ShapeDtypeStruct((POST_NMS, 1), jnp.float32),
        ],
        scratch_shapes=[
            pltpu.VMEM((KCAP, 8), jnp.float32),
        ],
    )(lanes3, cols3, im_info.reshape(1, 3))
    return blob, out_scores

# --- scband reference (transcript-rebuilt; emitter-appended) ---
"""Pipeline reference for scband-strpn-81217831567849 (READ-ONLY COPY).

The authoritative reference and input builder live on the scoring server;
editing this copy changes nothing except your own understanding.
"""

import jax, jax.numpy as jnp
import numpy as np

PRE_NMS_TOP_N = 12000
POST_NMS_TOP_N = 2000
NMS_THRESH = 0.7
N_BOXES = 20000


def setup_inputs(seed: int = 0) -> dict:
    key = jax.random.key(seed)
    k1, k2 = jax.random.split(key, 2)
    r = jax.random.uniform(k1, (N_BOXES, 4), dtype=jnp.float32)
    x1 = r[:, 0] * 800.0
    y1 = r[:, 1] * 600.0
    x2 = x1 + r[:, 2] * 256.0 + 1.0
    y2 = y1 + r[:, 3] * 256.0 + 1.0
    boxes = jnp.stack([x1, y1, x2, y2], axis=1)
    scores = jax.random.uniform(k2, (N_BOXES,), dtype=jnp.float32)
    im_info = jnp.array([600.0, 800.0, 1.0], dtype=jnp.float32)
    return {"boxes": boxes, "scores": scores, "im_info": im_info}


def _clip_boxes(boxes, im_info):
    h, w = im_info[0], im_info[1]
    x1 = jnp.clip(boxes[:, 0], 0.0, w - 1.0)
    y1 = jnp.clip(boxes[:, 1], 0.0, h - 1.0)
    x2 = jnp.clip(boxes[:, 2], 0.0, w - 1.0)
    y2 = jnp.clip(boxes[:, 3], 0.0, h - 1.0)
    return jnp.stack([x1, y1, x2, y2], axis=1)


def _iou_one_to_many(box, boxes):
    area1 = (box[2] - box[0] + 1.0) * (box[3] - box[1] + 1.0)
    areas = (boxes[:, 2] - boxes[:, 0] + 1.0) * (boxes[:, 3] - boxes[:, 1] + 1.0)
    xx1 = jnp.maximum(box[0], boxes[:, 0])
    yy1 = jnp.maximum(box[1], boxes[:, 1])
    xx2 = jnp.minimum(box[2], boxes[:, 2])
    yy2 = jnp.minimum(box[3], boxes[:, 3])
    w = jnp.maximum(0.0, xx2 - xx1 + 1.0)
    h = jnp.maximum(0.0, yy2 - yy1 + 1.0)
    inter = w * h
    return inter / (area1 + areas - inter)


def _nms(boxes, scores, thresh, max_out):
    n = boxes.shape[0]

    def step(valid, _):
        masked = jnp.where(valid, scores, -jnp.inf)
        idx = jnp.argmax(masked).astype(jnp.int32)
        has = valid[idx]
        out_idx = jnp.where(has, idx, jnp.int32(n))
        ious = _iou_one_to_many(boxes[idx], boxes)
        valid = valid & (ious < thresh)
        valid = valid.at[idx].set(False)
        valid = valid & has
        return valid, out_idx

    valid0 = jnp.ones((n,), dtype=bool)
    _, keep = jax.lax.scan(step, valid0, xs=None, length=max_out)
    return keep


def reference(boxes, scores, im_info):
    # STRPN.proposal_layer core: clip -> sort desc -> pre-NMS topk -> NMS -> post-NMS topk -> prepend batch index
    proposals = _clip_boxes(boxes, im_info)
    scores_sorted, order = jax.lax.top_k(scores, PRE_NMS_TOP_N)
    proposals = proposals[order]
    keep = _nms(proposals, scores_sorted, NMS_THRESH, POST_NMS_TOP_N)
    valid_mask = (keep < PRE_NMS_TOP_N).astype(proposals.dtype)
    keep_c = jnp.clip(keep, 0, PRE_NMS_TOP_N - 1)
    out_boxes = proposals[keep_c] * valid_mask[:, None]
    out_scores = scores_sorted[keep_c][:, None] * valid_mask[:, None]
    batch_inds = jnp.zeros((POST_NMS_TOP_N, 1), dtype=proposals.dtype)
    blob = jnp.concatenate([batch_inds, out_boxes], axis=1)
    return blob, out_scores

if __name__ == "__main__":
    import jax
    _d = setup_inputs()
    print(jax.jit(kernel)(*tuple(_d.values())))

</pallas_src>

<mosaic_0001>
module attributes {stable_mosaic.version = 14 : i64} {
  func.func @_nms_kernel(%arg0: memref<47x4x256xf32, #tpu.memory_space<vmem>>, %arg1: memref<47x256x8xf32, #tpu.memory_space<vmem>>, %arg2: memref<1x3xf32, #tpu.memory_space<vmem>>, %arg3: memref<2000x5xf32, #tpu.memory_space<vmem>>, %arg4: memref<2000x1xf32, #tpu.memory_space<vmem>>, %arg5: memref<2304x8xf32, #tpu.memory_space<vmem>>) attributes {dimension_semantics = [], scalar_prefetch = 0 : i64, scratch_operands = 1 : i64, tpu.core_type = #tpu.core_type<tc>} {
    %broadcast_in_dim3A = arith.constant 0.000000e+00 : f32
    %broadcast_in_dim3A_0 = vector.broadcast %broadcast_in_dim3A : f32 to vector<2304x8xf32>
    %swap3A = arith.constant 0 : index
    %swap3A_1 = arith.constant 0 : index
    %swap3A_2 = vector.load %arg5[%swap3A, %swap3A_1] : memref<2304x8xf32, #tpu.memory_space<vmem>>, vector<2304x8xf32>
    tpu.vector_store %arg5[%swap3A, %swap3A_1], %broadcast_in_dim3A_0 {strides = array<i32>} : memref<2304x8xf32, #tpu.memory_space<vmem>>, vector<2304x8xf32>,
    %get3A = arith.constant 0 : index
    %get3A_3 = arith.constant 1 : index
    %get3A_4 = vector.load %arg2[%get3A, %get3A_3] : memref<1x3xf32, #tpu.memory_space<vmem>>, vector<1x1xf32>
    %get3A_5 = vector.extract %get3A_4[0, 0] : f32 from vector<1x1xf32>
    %get3A_6 = arith.constant 0 : index
    %get3A_7 = arith.constant 0 : index
    %get3A_8 = vector.load %arg2[%get3A_6, %get3A_7] : memref<1x3xf32, #tpu.memory_space<vmem>>, vector<1x1xf32>
    %get3A_9 = vector.extract %get3A_8[0, 0] : f32 from vector<1x1xf32>
    %iota3A = tpu.iota {dimensions = array<i32: 0>} : vector<4x1xi32>
    %jit3A = arith.constant 2 : i32
    %eq3A = arith.constant 0 : i32
    %eq3A_10 = arith.cmpi eq, %jit3A, %eq3A : i32
    %jit3A_11 = arith.constant 1 : i32
    %select_n3A = arith.select %eq3A_10, %jit3A_11, %jit3A : i32
    %rem3A = vector.broadcast %select_n3A : i32 to vector<4x1xi32>
    %rem3A_12 = arith.remsi %iota3A, %rem3A : vector<4x1xi32>
    %ne3A = arith.constant 0 : i32
    %ne3A_13 = vector.broadcast %ne3A : i32 to vector<4x1xi32>
    %ne3A_14 = arith.cmpi ne, %rem3A_12, %ne3A_13 : vector<4x1xi32>
    %lt3A = arith.constant 0 : i32
    %lt3A_15 = vector.broadcast %lt3A : i32 to vector<4x1xi32>
    %lt3A_16 = arith.cmpi slt, %rem3A_12, %lt3A_15 : vector<4x1xi32>
    %lt3A_17 = arith.constant 0 : i32
    %lt3A_18 = arith.cmpi slt, %select_n3A, %lt3A_17 : i32
    %ne3A_19 = vector.broadcast %lt3A_18 : i1 to vector<4x1xi1>
    %ne3A_20 = vector.broadcast %ne3A_19 : vector<4x1xi1> to vector<4x1xi1>
    %ne3A_21 = arith.xori %lt3A_16, %ne3A_20 : vector<4x1xi1>
    %and3A = arith.andi %ne3A_21, %ne3A_14 : vector<4x1xi1>
    %add3A = vector.broadcast %select_n3A : i32 to vector<4x1xi32>
    %add3A_22 = arith.addi %rem3A_12, %add3A : vector<4x1xi32>
    %select_n3A_23 = arith.select %and3A, %add3A_22, %rem3A_12 : vector<4x1xi1>, vector<4x1xi32>
    %eq3A_24 = arith.constant 0 : i32
    %eq3A_25 = vector.broadcast %eq3A_24 : i32 to vector<4x1xi32>
    %eq3A_26 = arith.cmpi eq, %select_n3A_23, %eq3A_25 : vector<4x1xi32>
    %sub3A = arith.constant 1.000000e+00 : f32
    %sub3A_27 = arith.subf %get3A_5, %sub3A : f32
    %sub3A_28 = arith.constant 1.000000e+00 : f32
    %sub3A_29 = arith.subf %get3A_9, %sub3A_28 : f32
    %broadcast_in_dim3A_30 = vector.broadcast %sub3A_27 : f32 to vector<4x1xf32>
    %broadcast_in_dim3A_31 = vector.broadcast %sub3A_29 : f32 to vector<4x1xf32>
    %select_n3A_32 = arith.select %eq3A_26, %broadcast_in_dim3A_30, %broadcast_in_dim3A_31 : vector<4x1xi1>, vector<4x1xf32>
    %iota3A_33 = tpu.iota {dimensions = array<i32: 1>} : vector<1x8xi32>
    %jit3A_34 = arith.constant 2 : i32
    %eq3A_35 = arith.constant 0 : i32
    %eq3A_36 = arith.cmpi eq, %jit3A_34, %eq3A_35 : i32
    %jit3A_37 = arith.constant 1 : i32
    %select_n3A_38 = arith.select %eq3A_36, %jit3A_37, %jit3A_34 : i32
    %rem3A_39 = vector.broadcast %select_n3A_38 : i32 to vector<1x8xi32>
    %rem3A_40 = arith.remsi %iota3A_33, %rem3A_39 : vector<1x8xi32>
    %ne3A_41 = arith.constant 0 : i32
    %ne3A_42 = vector.broadcast %ne3A_41 : i32 to vector<1x8xi32>
    %ne3A_43 = arith.cmpi ne, %rem3A_40, %ne3A_42 : vector<1x8xi32>
    %lt3A_44 = arith.constant 0 : i32
    %lt3A_45 = vector.broadcast %lt3A_44 : i32 to vector<1x8xi32>
    %lt3A_46 = arith.cmpi slt, %rem3A_40, %lt3A_45 : vector<1x8xi32>
    %lt3A_47 = arith.constant 0 : i32
    %lt3A_48 = arith.cmpi slt, %select_n3A_38, %lt3A_47 : i32
    %ne3A_49 = vector.broadcast %lt3A_48 : i1 to vector<1x8xi1>
    %ne3A_50 = vector.broadcast %ne3A_49 : vector<1x8xi1> to vector<1x8xi1>
    %ne3A_51 = arith.xori %lt3A_46, %ne3A_50 : vector<1x8xi1>
    %and3A_52 = arith.andi %ne3A_51, %ne3A_43 : vector<1x8xi1>
    %add3A_53 = vector.broadcast %select_n3A_38 : i32 to vector<1x8xi32>
    %add3A_54 = arith.addi %rem3A_40, %add3A_53 : vector<1x8xi32>
    %select_n3A_55 = arith.select %and3A_52, %add3A_54, %rem3A_40 : vector<1x8xi1>, vector<1x8xi32>
    %eq3A_56 = arith.constant 0 : i32
    %eq3A_57 = vector.broadcast %eq3A_56 : i32 to vector<1x8xi32>
    %eq3A_58 = arith.cmpi eq, %select_n3A_55, %eq3A_57 : vector<1x8xi32>
    %sub3A_59 = arith.constant 1.000000e+00 : f32
    %sub3A_60 = arith.subf %get3A_5, %sub3A_59 : f32
    %sub3A_61 = arith.constant 1.000000e+00 : f32
    %sub3A_62 = arith.subf %get3A_9, %sub3A_61 : f32
    %broadcast_in_dim3A_63 = vector.broadcast %sub3A_60 : f32 to vector<1x8xf32>
    %broadcast_in_dim3A_64 = vector.broadcast %sub3A_62 : f32 to vector<1x8xf32>
    %select_n3A_65 = arith.select %eq3A_58, %broadcast_in_dim3A_63, %broadcast_in_dim3A_64 : vector<1x8xi1>, vector<1x8xf32>
    %iota3A_66 = tpu.iota {dimensions = array<i32: 1>} : vector<1x256xi32>
    %iota3A_67 = tpu.iota {dimensions = array<i32: 0>} : vector<64x1xi32>
    %iota3A_68 = tpu.iota {dimensions = array<i32: 0>} : vector<256x256xi32>
    %iota3A_69 = tpu.iota {dimensions = array<i32: 1>} : vector<256x256xi32>
    %lt3A_70 = arith.cmpi slt, %iota3A_68, %iota3A_69 : vector<256x256xi32>
    %jit3A_71 = arith.constant 1.000000e+00 : f32
    %jit3A_72 = arith.constant 0.000000e+00 : f32
    %broadcast_in_dim3A_73 = vector.broadcast %jit3A_71 : f32 to vector<256x256xf32>
    %broadcast_in_dim3A_74 = vector.broadcast %jit3A_72 : f32 to vector<256x256xf32>
    %select_n3A_75 = arith.select %lt3A_70, %broadcast_in_dim3A_73, %broadcast_in_dim3A_74 : vector<256x256xi1>, vector<256x256xf32>
    %convert_element_type3A = arith.sitofp %iota3A_68 : vector<256x256xi32> to vector<256x256xf32>
    %while3A = arith.constant 0 : i32
    %while3A_76 = arith.constant 0 : i32
    %while3A_77:2 = scf.while (%while3A_90 = %while3A, %while3A_91 = %while3A_76) : (i32, i32) -> (i32, i32) {
      %lt3A_92 = arith.constant 47 : i32
      %lt3A_93 = arith.cmpi slt, %while3A_90, %lt3A_92 : i32
      %lt3A_94 = arith.constant 2000 : i32
      %lt3A_95 = arith.cmpi slt, %while3A_91, %lt3A_94 : i32
      %and3A_96 = arith.andi %lt3A_93, %lt3A_95 : i1
      scf.condition(%and3A_96) %while3A_90, %while3A_91 : i32, i32
    } do {
    ^bb0(%while3A_90: i32, %while3A_91: i32):
      %get3A_92 = arith.index_cast %while3A_90 : i32 to index
      %get3A_93 = arith.constant 0 : index
      %get3A_94 = arith.constant 0 : index
      %get3A_95 = vector.load %arg0[%get3A_92, %get3A_93, %get3A_94] : memref<47x4x256xf32, #tpu.memory_space<vmem>>, vector<1x4x256xf32>
      %get3A_96 = vector.shape_cast %get3A_95 : vector<1x4x256xf32> to vector<4x256xf32>
      %max3A = arith.constant 0.000000e+00 : f32
      %max3A_97 = vector.broadcast %max3A : f32 to vector<4x256xf32>
      %max3A_98 = arith.maximumf %get3A_96, %max3A_97 : vector<4x256xf32>
      %min3A = vector.broadcast %select_n3A_32 : vector<4x1xf32> to vector<4x256xf32>
      %min3A_99 = arith.minimumf %max3A_98, %min3A : vector<4x256xf32>
      %slice3A = vector.extract_strided_slice %min3A_99 {offsets = [0, 0], sizes = [1, 256], strides = [1, 1]} : vector<4x256xf32> to vector<1x256xf32>
      %slice3A_100 = vector.extract_strided_slice %min3A_99 {offsets = [1, 0], sizes = [1, 256], strides = [1, 1]} : vector<4x256xf32> to vector<1x256xf32>
      %slice3A_101 = vector.extract_strided_slice %min3A_99 {offsets = [2, 0], sizes = [1, 256], strides = [1, 1]} : vector<4x256xf32> to vector<1x256xf32>
      %slice3A_102 = vector.extract_strided_slice %min3A_99 {offsets = [3, 0], sizes = [1, 256], strides = [1, 1]} : vector<4x256xf32> to vector<1x256xf32>
      %sub3A_103 = arith.subf %slice3A_101, %slice3A : vector<1x256xf32>
      %add3A_104 = arith.constant 1.000000e+00 : f32
      %add3A_105 = vector.broadcast %add3A_104 : f32 to vector<1x256xf32>
      %add3A_106 = arith.addf %sub3A_103, %add3A_105 : vector<1x256xf32>
      %sub3A_107 = arith.subf %slice3A_102, %slice3A_100 : vector<1x256xf32>
      %add3A_108 = arith.constant 1.000000e+00 : f32
      %add3A_109 = vector.broadcast %add3A_108 : f32 to vector<1x256xf32>
      %add3A_110 = arith.addf %sub3A_107, %add3A_109 : vector<1x256xf32>
      %mul3A = arith.mulf %add3A_106, %add3A_110 : vector<1x256xf32>
      %get3A_111 = arith.index_cast %while3A_90 : i32 to index
      %get3A_112 = arith.constant 0 : index
      %get3A_113 = arith.constant 0 : index
      %get3A_114 = vector.load %arg1[%get3A_111, %get3A_112, %get3A_113] : memref<47x256x8xf32, #tpu.memory_space<vmem>>, vector<1x256x8xf32>
      %get3A_115 = vector.shape_cast %get3A_114 : vector<1x256x8xf32> to vector<256x8xf32>
      %lt3A_116 = arith.constant 4 : i32
      %lt3A_117 = vector.broadcast %lt3A_116 : i32 to vector<1x8xi32>
      %lt3A_118 = arith.cmpi slt, %iota3A_33, %lt3A_117 : vector<1x8xi32>
      %max3A_119 = arith.constant 0.000000e+00 : f32
      %max3A_120 = vector.broadcast %max3A_119 : f32 to vector<256x8xf32>
      %max3A_121 = arith.maximumf %get3A_115, %max3A_120 : vector<256x8xf32>
      %min3A_122 = vector.broadcast %select_n3A_65 : vector<1x8xf32> to vector<256x8xf32>
      %min3A_123 = arith.minimumf %max3A_121, %min3A_122 : vector<256x8xf32>
      %broadcast_in_dim3A_124 = vector.shape_cast %lt3A_118 : vector<1x8xi1> to vector<1x8xi1>
      %broadcast_in_dim3A_125 = vector.broadcast %broadcast_in_dim3A_124 : vector<1x8xi1> to vector<256x8xi1>
      %select_n3A_126 = arith.select %broadcast_in_dim3A_125, %min3A_123, %get3A_115 : vector<256x8xi1>, vector<256x8xf32>
      %slice3A_127 = vector.extract_strided_slice %select_n3A_126 {offsets = [0, 0], sizes = [256, 1], strides = [1, 1]} : vector<256x8xf32> to vector<256x1xf32>
      %slice3A_128 = vector.extract_strided_slice %select_n3A_126 {offsets = [0, 1], sizes = [256, 1], strides = [1, 1]} : vector<256x8xf32> to vector<256x1xf32>
      %slice3A_129 = vector.extract_strided_slice %select_n3A_126 {offsets = [0, 2], sizes = [256, 1], strides = [1, 1]} : vector<256x8xf32> to vector<256x1xf32>
      %slice3A_130 = vector.extract_strided_slice %select_n3A_126 {offsets = [0, 3], sizes = [256, 1], strides = [1, 1]} : vector<256x8xf32> to vector<256x1xf32>
      %sub3A_131 = arith.subf %slice3A_129, %slice3A_127 : vector<256x1xf32>
      %add3A_132 = arith.constant 1.000000e+00 : f32
      %add3A_133 = vector.broadcast %add3A_132 : f32 to vector<256x1xf32>
      %add3A_134 = arith.addf %sub3A_131, %add3A_133 : vector<256x1xf32>
      %sub3A_135 = arith.subf %slice3A_130, %slice3A_128 : vector<256x1xf32>
      %add3A_136 = arith.constant 1.000000e+00 : f32
      %add3A_137 = vector.broadcast %add3A_136 : f32 to vector<256x1xf32>
      %add3A_138 = arith.addf %sub3A_135, %add3A_137 : vector<256x1xf32>
      %mul3A_139 = arith.mulf %add3A_134, %add3A_138 : vector<256x1xf32>
      %max3A_140 = vector.broadcast %slice3A_127 : vector<256x1xf32> to vector<256x256xf32>
      %max3A_141 = vector.broadcast %slice3A : vector<1x256xf32> to vector<256x256xf32>
      %max3A_142 = arith.maximumf %max3A_140, %max3A_141 : vector<256x256xf32>
      %max3A_143 = vector.broadcast %slice3A_128 : vector<256x1xf32> to vector<256x256xf32>
      %max3A_144 = vector.broadcast %slice3A_100 : vector<1x256xf32> to vector<256x256xf32>
      %max3A_145 = arith.maximumf %max3A_143, %max3A_144 : vector<256x256xf32>
      %min3A_146 = vector.broadcast %slice3A_129 : vector<256x1xf32> to vector<256x256xf32>
      %min3A_147 = vector.broadcast %slice3A_101 : vector<1x256xf32> to vector<256x256xf32>
      %min3A_148 = arith.minimumf %min3A_146, %min3A_147 : vector<256x256xf32>
      %min3A_149 = vector.broadcast %slice3A_130 : vector<256x1xf32> to vector<256x256xf32>
      %min3A_150 = vector.broadcast %slice3A_102 : vector<1x256xf32> to vector<256x256xf32>
      %min3A_151 = arith.minimumf %min3A_149, %min3A_150 : vector<256x256xf32>
      %sub3A_152 = arith.subf %min3A_148, %max3A_142 : vector<256x256xf32>
      %add3A_153 = arith.constant 1.000000e+00 : f32
      %add3A_154 = vector.broadcast %add3A_153 : f32 to vector<256x256xf32>
      %add3A_155 = arith.addf %sub3A_152, %add3A_154 : vector<256x256xf32>
      %max3A_156 = arith.constant 0.000000e+00 : f32
      %max3A_157 = vector.broadcast %max3A_156 : f32 to vector<256x256xf32>
      %max3A_158 = arith.maximumf %max3A_157, %add3A_155 : vector<256x256xf32>
      %sub3A_159 = arith.subf %min3A_151, %max3A_145 : vector<256x256xf32>
      %add3A_160 = arith.constant 1.000000e+00 : f32
      %add3A_161 = vector.broadcast %add3A_160 : f32 to vector<256x256xf32>
      %add3A_162 = arith.addf %sub3A_159, %add3A_161 : vector<256x256xf32>
      %max3A_163 = arith.constant 0.000000e+00 : f32
      %max3A_164 = vector.broadcast %max3A_163 : f32 to vector<256x256xf32>
      %max3A_165 = arith.maximumf %max3A_164, %add3A_162 : vector<256x256xf32>
      %mul3A_166 = arith.mulf %max3A_158, %max3A_165 : vector<256x256xf32>
      %add3A_167 = vector.broadcast %mul3A_139 : vector<256x1xf32> to vector<256x256xf32>
      %add3A_168 = vector.broadcast %mul3A : vector<1x256xf32> to vector<256x256xf32>
      %add3A_169 = arith.addf %add3A_167, %add3A_168 : vector<256x256xf32>
      %sub3A_170 = arith.subf %add3A_169, %mul3A_166 : vector<256x256xf32>
      %div3A = arith.divf %mul3A_166, %sub3A_170 : vector<256x256xf32>
      %ge3A = arith.constant 0.699999988 : f32
      %ge3A_171 = vector.broadcast %ge3A : f32 to vector<256x256xf32>
      %ge3A_172 = arith.cmpf oge, %div3A, %ge3A_171 : vector<256x256xf32>
      %lt3A_173 = arith.cmpi slt, %iota3A_68, %iota3A_69 : vector<256x256xi32>
      %and3A_174 = arith.andi %ge3A_172, %lt3A_173 : vector<256x256xi1>
      %jit3A_175 = arith.constant 1.000000e+00 : f32
      %jit3A_176 = arith.constant 0.000000e+00 : f32
      %broadcast_in_dim3A_177 = vector.broadcast %jit3A_175 : f32 to vector<256x256xf32>
      %broadcast_in_dim3A_178 = vector.broadcast %jit3A_176 : f32 to vector<256x256xf32>
      %select_n3A_179 = arith.select %and3A_174, %broadcast_in_dim3A_177, %broadcast_in_dim3A_178 : vector<256x256xi1>, vector<256x256xf32>
      %mul3A_180 = arith.constant 256 : i32
      %mul3A_181 = arith.muli %while3A_90, %mul3A_180 : i32
      %add3A_182 = vector.broadcast %mul3A_181 : i32 to vector<1x256xi32>
      %add3A_183 = arith.addi %add3A_182, %iota3A_66 : vector<1x256xi32>
      %lt3A_184 = arith.constant 12000 : i32
      %lt3A_185 = vector.broadcast %lt3A_184 : i32 to vector<1x256xi32>
      %lt3A_186 = arith.cmpi slt, %add3A_183, %lt3A_185 : vector<1x256xi32>
      %convert_element_type3A_187 = arith.extui %lt3A_186 : vector<1x256xi1> to vector<1x256xi32>
      %convert_element_type3A_188 = arith.sitofp %convert_element_type3A_187 : vector<1x256xi32> to vector<1x256xf32>
      %add3A_189 = arith.constant 64 : i32
      %add3A_190 = arith.addi %while3A_91, %add3A_189 : i32
      %sub3A_191 = arith.constant 1 : i32
      %sub3A_192 = arith.subi %add3A_190, %sub3A_191 : i32
      %jit3A_193 = arith.constant 64 : i32
      %div3A_194 = arith.divsi %sub3A_192, %jit3A_193 : i32
      %sign3A = arith.constant 0 : i32
      %sign3A_195 = arith.cmpi sgt, %sub3A_192, %sign3A : i32
      %sign3A_196 = arith.extui %sign3A_195 : i1 to i32
      %sign3A_197 = arith.constant 0 : i32
      %sign3A_198 = arith.cmpi slt, %sub3A_192, %sign3A_197 : i32
      %sign3A_199 = arith.extui %sign3A_198 : i1 to i32
      %sign3A_200 = arith.subi %sign3A_196, %sign3A_199 : i32
      %sign3A_201 = arith.constant 0 : i32
      %sign3A_202 = arith.cmpi sgt, %jit3A_193, %sign3A_201 : i32
      %sign3A_203 = arith.extui %sign3A_202 : i1 to i32
      %sign3A_204 = arith.constant 0 : i32
      %sign3A_205 = arith.cmpi slt, %jit3A_193, %sign3A_204 : i32
      %sign3A_206 = arith.extui %sign3A_205 : i1 to i32
      %sign3A_207 = arith.subi %sign3A_203, %sign3A_206 : i32
      %ne3A_208 = arith.cmpi ne, %sign3A_200, %sign3A_207 : i32
      %rem3A_209 = arith.remsi %sub3A_192, %jit3A_193 : i32
      %ne3A_210 = arith.constant 0 : i32
      %ne3A_211 = arith.cmpi ne, %rem3A_209, %ne3A_210 : i32
      %and3A_212 = arith.andi %ne3A_208, %ne3A_211 : i1
      %sub3A_213 = arith.constant 1 : i32
      %sub3A_214 = arith.subi %div3A_194, %sub3A_213 : i32
      %select_n3A_215 = arith.select %and3A_212, %sub3A_214, %div3A_194 : i32
      %while3A_216 = arith.constant 0 : i32
      %while3A_217 = arith.subi %select_n3A_215, %while3A_216 : i32
      %while3A_218 = arith.addi %while3A_216, %while3A_217 : i32
      %while3A_219 = arith.constant 1 : i32
      %while3A_220 = arith.divsi %while3A_217, %while3A_219 : i32
      %while3A_221 = arith.muli %while3A_220, %while3A_219 : i32
      %while3A_222 = arith.addi %while3A_216, %while3A_221 : i32
      %while3A_223 = arith.constant 1 : i32
      %while3A_224 = scf.for %while3A_264 = %while3A_216 to %while3A_222 step %while3A_223 iter_args(%while3A_265 = %convert_element_type3A_188) -> (vector<1x256xf32>)  : i32 {
        %mul3A_266 = arith.constant 64 : i32
        %mul3A_267 = arith.muli %while3A_264, %mul3A_266 : i32
        %get3A_268 = arith.index_cast %mul3A_267 : i32 to index
        %get3A_269 = arith.constant 0 : index
        %get3A_270 = vector.load %arg5[%get3A_268, %get3A_269] : memref<2304x8xf32, #tpu.memory_space<vmem>>, vector<64x8xf32>
        %slice3A_271 = vector.extract_strided_slice %get3A_270 {offsets = [0, 1], sizes = [64, 1], strides = [1, 1]} : vector<64x8xf32> to vector<64x1xf32>
        %slice3A_272 = vector.extract_strided_slice %get3A_270 {offsets = [0, 2], sizes = [64, 1], strides = [1, 1]} : vector<64x8xf32> to vector<64x1xf32>
        %slice3A_273 = vector.extract_strided_slice %get3A_270 {offsets = [0, 3], sizes = [64, 1], strides = [1, 1]} : vector<64x8xf32> to vector<64x1xf32>
        %slice3A_274 = vector.extract_strided_slice %get3A_270 {offsets = [0, 4], sizes = [64, 1], strides = [1, 1]} : vector<64x8xf32> to vector<64x1xf32>
        %slice3A_275 = vector.extract_strided_slice %get3A_270 {offsets = [0, 6], sizes = [64, 1], strides = [1, 1]} : vector<64x8xf32> to vector<64x1xf32>
        %max3A_276 = vector.broadcast %slice3A_271 : vector<64x1xf32> to vector<64x256xf32>
        %max3A_277 = vector.broadcast %slice3A : vector<1x256xf32> to vector<64x256xf32>
        %max3A_278 = arith.maximumf %max3A_276, %max3A_277 : vector<64x256xf32>
        %max3A_279 = vector.broadcast %slice3A_272 : vector<64x1xf32> to vector<64x256xf32>
        %max3A_280 = vector.broadcast %slice3A_100 : vector<1x256xf32> to vector<64x256xf32>
        %max3A_281 = arith.maximumf %max3A_279, %max3A_280 : vector<64x256xf32>
        %min3A_282 = vector.broadcast %slice3A_273 : vector<64x1xf32> to vector<64x256xf32>
        %min3A_283 = vector.broadcast %slice3A_101 : vector<1x256xf32> to vector<64x256xf32>
        %min3A_284 = arith.minimumf %min3A_282, %min3A_283 : vector<64x256xf32>
        %min3A_285 = vector.broadcast %slice3A_274 : vector<64x1xf32> to vector<64x256xf32>
        %min3A_286 = vector.broadcast %slice3A_102 : vector<1x256xf32> to vector<64x256xf32>
        %min3A_287 = arith.minimumf %min3A_285, %min3A_286 : vector<64x256xf32>
        %sub3A_288 = arith.subf %min3A_284, %max3A_278 : vector<64x256xf32>
        %add3A_289 = arith.constant 1.000000e+00 : f32
        %add3A_290 = vector.broadcast %add3A_289 : f32 to vector<64x256xf32>
        %add3A_291 = arith.addf %sub3A_288, %add3A_290 : vector<64x256xf32>
        %max3A_292 = arith.constant 0.000000e+00 : f32
        %max3A_293 = vector.broadcast %max3A_292 : f32 to vector<64x256xf32>
        %max3A_294 = arith.maximumf %max3A_293, %add3A_291 : vector<64x256xf32>
        %sub3A_295 = arith.subf %min3A_287, %max3A_281 : vector<64x256xf32>
        %add3A_296 = arith.constant 1.000000e+00 : f32
        %add3A_297 = vector.broadcast %add3A_296 : f32 to vector<64x256xf32>
        %add3A_298 = arith.addf %sub3A_295, %add3A_297 : vector<64x256xf32>
        %max3A_299 = arith.constant 0.000000e+00 : f32
        %max3A_300 = vector.broadcast %max3A_299 : f32 to vector<64x256xf32>
        %max3A_301 = arith.maximumf %max3A_300, %add3A_298 : vector<64x256xf32>
        %mul3A_302 = arith.mulf %max3A_294, %max3A_301 : vector<64x256xf32>
        %add3A_303 = vector.broadcast %slice3A_275 : vector<64x1xf32> to vector<64x256xf32>
        %add3A_304 = vector.broadcast %mul3A : vector<1x256xf32> to vector<64x256xf32>
        %add3A_305 = arith.addf %add3A_303, %add3A_304 : vector<64x256xf32>
        %sub3A_306 = arith.subf %add3A_305, %mul3A_302 : vector<64x256xf32>
        %div3A_307 = arith.divf %mul3A_302, %sub3A_306 : vector<64x256xf32>
        %mul3A_308 = arith.constant 64 : i32
        %mul3A_309 = arith.muli %while3A_264, %mul3A_308 : i32
        %add3A_310 = vector.broadcast %mul3A_309 : i32 to vector<64x1xi32>
        %add3A_311 = arith.addi %add3A_310, %iota3A_67 : vector<64x1xi32>
        %lt3A_312 = vector.broadcast %while3A_91 : i32 to vector<64x1xi32>
        %lt3A_313 = arith.cmpi slt, %add3A_311, %lt3A_312 : vector<64x1xi32>
        %ge3A_314 = arith.constant 0.699999988 : f32
        %ge3A_315 = vector.broadcast %ge3A_314 : f32 to vector<64x256xf32>
        %ge3A_316 = arith.cmpf oge, %div3A_307, %ge3A_315 : vector<64x256xf32>
        %and3A_317 = vector.broadcast %lt3A_313 : vector<64x1xi1> to vector<64x256xi1>
        %and3A_318 = arith.andi %ge3A_316, %and3A_317 : vector<64x256xi1>
        %jit3A_319 = arith.constant 1.000000e+00 : f32
        %jit3A_320 = arith.constant 0.000000e+00 : f32
        %broadcast_in_dim3A_321 = vector.broadcast %jit3A_319 : f32 to vector<64x256xf32>
        %broadcast_in_dim3A_322 = vector.broadcast %jit3A_320 : f32 to vector<64x256xf32>
        %select_n3A_323 = arith.select %and3A_318, %broadcast_in_dim3A_321, %broadcast_in_dim3A_322 : vector<64x256xi1>, vector<64x256xf32>
        %reduce_max3A = arith.constant dense<0xFF800000> : vector<256xf32>
        %reduce_max3A_324 = vector.multi_reduction <maximumf>, %select_n3A_323, %reduce_max3A [0] : vector<64x256xf32> to vector<256xf32>
        %broadcast_in_dim3A_325 = vector.shape_cast %reduce_max3A_324 : vector<256xf32> to vector<1x256xf32>
        %gt3A_326 = arith.constant 0.000000e+00 : f32
        %gt3A_327 = vector.broadcast %gt3A_326 : f32 to vector<1x256xf32>
        %gt3A_328 = arith.cmpf ogt, %broadcast_in_dim3A_325, %gt3A_327 : vector<1x256xf32>
        %jit3A_329 = arith.constant 0.000000e+00 : f32
        %broadcast_in_dim3A_330 = vector.broadcast %jit3A_329 : f32 to vector<1x256xf32>
        %select_n3A_331 = arith.select %gt3A_328, %broadcast_in_dim3A_330, %while3A_265 : vector<1x256xi1>, vector<1x256xf32>
        scf.yield %select_n3A_331 : vector<1x256xf32>
      }
      %while3A_225 = arith.constant 1 : i32
      %while3A_226 = scf.for %while3A_264 = %while3A_222 to %while3A_218 step %while3A_225 iter_args(%while3A_265 = %while3A_224) -> (vector<1x256xf32>)  : i32 {
        %mul3A_266 = arith.constant 64 : i32
        %mul3A_267 = arith.muli %while3A_264, %mul3A_266 : i32
        %get3A_268 = arith.index_cast %mul3A_267 : i32 to index
        %get3A_269 = arith.constant 0 : index
        %get3A_270 = vector.load %arg5[%get3A_268, %get3A_269] : memref<2304x8xf32, #tpu.memory_space<vmem>>, vector<64x8xf32>
        %slice3A_271 = vector.extract_strided_slice %get3A_270 {offsets = [0, 1], sizes = [64, 1], strides = [1, 1]} : vector<64x8xf32> to vector<64x1xf32>
        %slice3A_272 = vector.extract_strided_slice %get3A_270 {offsets = [0, 2], sizes = [64, 1], strides = [1, 1]} : vector<64x8xf32> to vector<64x1xf32>
        %slice3A_273 = vector.extract_strided_slice %get3A_270 {offsets = [0, 3], sizes = [64, 1], strides = [1, 1]} : vector<64x8xf32> to vector<64x1xf32>
        %slice3A_274 = vector.extract_strided_slice %get3A_270 {offsets = [0, 4], sizes = [64, 1], strides = [1, 1]} : vector<64x8xf32> to vector<64x1xf32>
        %slice3A_275 = vector.extract_strided_slice %get3A_270 {offsets = [0, 6], sizes = [64, 1], strides = [1, 1]} : vector<64x8xf32> to vector<64x1xf32>
        %max3A_276 = vector.broadcast %slice3A_271 : vector<64x1xf32> to vector<64x256xf32>
        %max3A_277 = vector.broadcast %slice3A : vector<1x256xf32> to vector<64x256xf32>
        %max3A_278 = arith.maximumf %max3A_276, %max3A_277 : vector<64x256xf32>
        %max3A_279 = vector.broadcast %slice3A_272 : vector<64x1xf32> to vector<64x256xf32>
        %max3A_280 = vector.broadcast %slice3A_100 : vector<1x256xf32> to vector<64x256xf32>
        %max3A_281 = arith.maximumf %max3A_279, %max3A_280 : vector<64x256xf32>
        %min3A_282 = vector.broadcast %slice3A_273 : vector<64x1xf32> to vector<64x256xf32>
        %min3A_283 = vector.broadcast %slice3A_101 : vector<1x256xf32> to vector<64x256xf32>
        %min3A_284 = arith.minimumf %min3A_282, %min3A_283 : vector<64x256xf32>
        %min3A_285 = vector.broadcast %slice3A_274 : vector<64x1xf32> to vector<64x256xf32>
        %min3A_286 = vector.broadcast %slice3A_102 : vector<1x256xf32> to vector<64x256xf32>
        %min3A_287 = arith.minimumf %min3A_285, %min3A_286 : vector<64x256xf32>
        %sub3A_288 = arith.subf %min3A_284, %max3A_278 : vector<64x256xf32>
        %add3A_289 = arith.constant 1.000000e+00 : f32
        %add3A_290 = vector.broadcast %add3A_289 : f32 to vector<64x256xf32>
        %add3A_291 = arith.addf %sub3A_288, %add3A_290 : vector<64x256xf32>
        %max3A_292 = arith.constant 0.000000e+00 : f32
        %max3A_293 = vector.broadcast %max3A_292 : f32 to vector<64x256xf32>
        %max3A_294 = arith.maximumf %max3A_293, %add3A_291 : vector<64x256xf32>
        %sub3A_295 = arith.subf %min3A_287, %max3A_281 : vector<64x256xf32>
        %add3A_296 = arith.constant 1.000000e+00 : f32
        %add3A_297 = vector.broadcast %add3A_296 : f32 to vector<64x256xf32>
        %add3A_298 = arith.addf %sub3A_295, %add3A_297 : vector<64x256xf32>
        %max3A_299 = arith.constant 0.000000e+00 : f32
        %max3A_300 = vector.broadcast %max3A_299 : f32 to vector<64x256xf32>
        %max3A_301 = arith.maximumf %max3A_300, %add3A_298 : vector<64x256xf32>
        %mul3A_302 = arith.mulf %max3A_294, %max3A_301 : vector<64x256xf32>
        %add3A_303 = vector.broadcast %slice3A_275 : vector<64x1xf32> to vector<64x256xf32>
        %add3A_304 = vector.broadcast %mul3A : vector<1x256xf32> to vector<64x256xf32>
        %add3A_305 = arith.addf %add3A_303, %add3A_304 : vector<64x256xf32>
        %sub3A_306 = arith.subf %add3A_305, %mul3A_302 : vector<64x256xf32>
        %div3A_307 = arith.divf %mul3A_302, %sub3A_306 : vector<64x256xf32>
        %mul3A_308 = arith.constant 64 : i32
        %mul3A_309 = arith.muli %while3A_264, %mul3A_308 : i32
        %add3A_310 = vector.broadcast %mul3A_309 : i32 to vector<64x1xi32>
        %add3A_311 = arith.addi %add3A_310, %iota3A_67 : vector<64x1xi32>
        %lt3A_312 = vector.broadcast %while3A_91 : i32 to vector<64x1xi32>
        %lt3A_313 = arith.cmpi slt, %add3A_311, %lt3A_312 : vector<64x1xi32>
        %ge3A_314 = arith.constant 0.699999988 : f32
        %ge3A_315 = vector.broadcast %ge3A_314 : f32 to vector<64x256xf32>
        %ge3A_316 = arith.cmpf oge, %div3A_307, %ge3A_315 : vector<64x256xf32>
        %and3A_317 = vector.broadcast %lt3A_313 : vector<64x1xi1> to vector<64x256xi1>
        %and3A_318 = arith.andi %ge3A_316, %and3A_317 : vector<64x256xi1>
        %jit3A_319 = arith.constant 1.000000e+00 : f32
        %jit3A_320 = arith.constant 0.000000e+00 : f32
        %broadcast_in_dim3A_321 = vector.broadcast %jit3A_319 : f32 to vector<64x256xf32>
        %broadcast_in_dim3A_322 = vector.broadcast %jit3A_320 : f32 to vector<64x256xf32>
        %select_n3A_323 = arith.select %and3A_318, %broadcast_in_dim3A_321, %broadcast_in_dim3A_322 : vector<64x256xi1>, vector<64x256xf32>
        %reduce_max3A = arith.constant dense<0xFF800000> : vector<256xf32>
        %reduce_max3A_324 = vector.multi_reduction <maximumf>, %select_n3A_323, %reduce_max3A [0] : vector<64x256xf32> to vector<256xf32>
        %broadcast_in_dim3A_325 = vector.shape_cast %reduce_max3A_324 : vector<256xf32> to vector<1x256xf32>
        %gt3A_326 = arith.constant 0.000000e+00 : f32
        %gt3A_327 = vector.broadcast %gt3A_326 : f32 to vector<1x256xf32>
        %gt3A_328 = arith.cmpf ogt, %broadcast_in_dim3A_325, %gt3A_327 : vector<1x256xf32>
        %jit3A_329 = arith.constant 0.000000e+00 : f32
        %broadcast_in_dim3A_330 = vector.broadcast %jit3A_329 : f32 to vector<1x256xf32>
        %select_n3A_331 = arith.select %gt3A_328, %broadcast_in_dim3A_330, %while3A_265 : vector<1x256xi1>, vector<1x256xf32>
        scf.yield %select_n3A_331 : vector<1x256xf32>
      }
      %broadcast_in_dim3A_227 = arith.constant 0.000000e+00 : f32
      %broadcast_in_dim3A_228 = vector.broadcast %broadcast_in_dim3A_227 : f32 to vector<1x256xf32>
      %while3A_229:2 = scf.while (%while3A_264 = %while3A_226, %while3A_265 = %broadcast_in_dim3A_228) : (vector<1x256xf32>, vector<1x256xf32>) -> (vector<1x256xf32>, vector<1x256xf32>) {
        %reduce_max3A = vector.shape_cast %while3A_264 : vector<1x256xf32> to vector<1x1x256xf32>
        %reduce_max3A_266 = arith.constant dense<0xFF800000> : vector<1xf32>
        %reduce_max3A_267 = vector.multi_reduction <maximumf>, %reduce_max3A, %reduce_max3A_266 [1, 2] : vector<1x1x256xf32> to vector<1xf32>
        %reduce_max3A_268 = vector.shape_cast %reduce_max3A_267 : vector<1xf32> to vector<1x1x1xf32>
        %reduce_max3A_269 = vector.extract %reduce_max3A_268[0, 0, 0] : f32 from vector<1x1x1xf32>
        %gt3A_270 = arith.constant 0.000000e+00 : f32
        %gt3A_271 = arith.cmpf ogt, %reduce_max3A_269, %gt3A_270 : f32
        scf.condition(%gt3A_271) %while3A_264, %while3A_265 : vector<1x256xf32>, vector<1x256xf32>
      } do {
      ^bb0(%while3A_264: vector<1x256xf32>, %while3A_265: vector<1x256xf32>):
        %dot_general3A_266 = arith.constant dense<0.000000e+00> : vector<1x256xf32>
        %dot_general3A_267 = tpu.matmul %while3A_264, %select_n3A_179, %dot_general3A_266 {dimension_numbers = #tpu.dot_dimension_numbers<[1], [0], [0], [1], [0, 0, 1, 1], [], []>, transpose_lhs_hint = false} : vector<1x256xf32>, vector<256x256xf32>, vector<1x256xf32> -> vector<1x256xf32>
        %gt3A_268 = arith.constant 0.000000e+00 : f32
        %gt3A_269 = vector.broadcast %gt3A_268 : f32 to vector<1x256xf32>
        %gt3A_270 = arith.cmpf ogt, %dot_general3A_267, %gt3A_269 : vector<1x256xf32>
        %jit3A_271 = arith.constant 0.000000e+00 : f32
        %broadcast_in_dim3A_272 = vector.broadcast %jit3A_271 : f32 to vector<1x256xf32>
        %select_n3A_273 = arith.select %gt3A_270, %broadcast_in_dim3A_272, %while3A_264 : vector<1x256xi1>, vector<1x256xf32>
        %dot_general3A_274 = arith.constant dense<0.000000e+00> : vector<1x256xf32>
        %dot_general3A_275 = tpu.matmul %select_n3A_273, %select_n3A_179, %dot_general3A_274 {dimension_numbers = #tpu.dot_dimension_numbers<[1], [0], [0], [1], [0, 0, 1, 1], [], []>, transpose_lhs_hint = false} : vector<1x256xf32>, vector<256x256xf32>, vector<1x256xf32> -> vector<1x256xf32>
        %add3A_276 = arith.addf %select_n3A_273, %dot_general3A_275 : vector<1x256xf32>
        %gt3A_277 = arith.constant 0.000000e+00 : f32
        %gt3A_278 = vector.broadcast %gt3A_277 : f32 to vector<1x256xf32>
        %gt3A_279 = arith.cmpf ogt, %add3A_276, %gt3A_278 : vector<1x256xf32>
        %jit3A_280 = arith.constant 0.000000e+00 : f32
        %broadcast_in_dim3A_281 = vector.broadcast %jit3A_280 : f32 to vector<1x256xf32>
        %select_n3A_282 = arith.select %gt3A_279, %broadcast_in_dim3A_281, %while3A_264 : vector<1x256xi1>, vector<1x256xf32>
        %add3A_283 = arith.addf %while3A_265, %select_n3A_273 : vector<1x256xf32>
        scf.yield %select_n3A_282, %add3A_283 : vector<1x256xf32>, vector<1x256xf32>
      }
      %dot_general3A = arith.constant dense<0.000000e+00> : vector<1x256xf32>
      %dot_general3A_230 = tpu.matmul %while3A_229#1, %select_n3A_75, %dot_general3A {dimension_numbers = #tpu.dot_dimension_numbers<[1], [0], [0], [1], [0, 0, 1, 1], [], []>, transpose_lhs_hint = false} : vector<1x256xf32>, vector<256x256xf32>, vector<1x256xf32> -> vector<1x256xf32>
      %broadcast_in_dim3A_231 = vector.shape_cast %dot_general3A_230 : vector<1x256xf32> to vector<1x256xf32>
      %broadcast_in_dim3A_232 = vector.broadcast %broadcast_in_dim3A_231 : vector<1x256xf32> to vector<256x256xf32>
      %eq3A_233 = arith.cmpf oeq, %broadcast_in_dim3A_232, %convert_element_type3A : vector<256x256xf32>
      %broadcast_in_dim3A_234 = vector.shape_cast %while3A_229#1 : vector<1x256xf32> to vector<1x256xf32>
      %broadcast_in_dim3A_235 = vector.broadcast %broadcast_in_dim3A_234 : vector<1x256xf32> to vector<256x256xf32>
      %gt3A = arith.constant 0.000000e+00 : f32
      %gt3A_236 = vector.broadcast %gt3A : f32 to vector<256x256xf32>
      %gt3A_237 = arith.cmpf ogt, %broadcast_in_dim3A_235, %gt3A_236 : vector<256x256xf32>
      %and3A_238 = arith.andi %eq3A_233, %gt3A_237 : vector<256x256xi1>
      %jit3A_239 = arith.constant 1.000000e+00 : f32
      %jit3A_240 = arith.constant 0.000000e+00 : f32
      %broadcast_in_dim3A_241 = vector.broadcast %jit3A_239 : f32 to vector<256x256xf32>
      %broadcast_in_dim3A_242 = vector.broadcast %jit3A_240 : f32 to vector<256x256xf32>
      %select_n3A_243 = arith.select %and3A_238, %broadcast_in_dim3A_241, %broadcast_in_dim3A_242 : vector<256x256xi1>, vector<256x256xf32>
      %broadcast_in_dim3A_244 = arith.constant 0.000000e+00 : f32
      %broadcast_in_dim3A_245 = vector.broadcast %broadcast_in_dim3A_244 : f32 to vector<256x1xf32>
      %slice3A_246 = vector.extract_strided_slice %select_n3A_126 {offsets = [0, 0], sizes = [256, 5], strides = [1, 1]} : vector<256x8xf32> to vector<256x5xf32>
      %broadcast_in_dim3A_247 = arith.constant 0.000000e+00 : f32
      %broadcast_in_dim3A_248 = vector.broadcast %broadcast_in_dim3A_247 : f32 to vector<256x1xf32>
      %concatenate3A = tpu.concatenate %broadcast_in_dim3A_245, %slice3A_246, %mul3A_139, %broadcast_in_dim3A_248 in 1 : vector<256x1xf32>, vector<256x5xf32>, vector<256x1xf32>, vector<256x1xf32> -> vector<256x8xf32>
      %dot_general3A_249 = arith.constant dense<0.000000e+00> : vector<256x8xf32>
      %dot_general3A_250 = tpu.matmul %select_n3A_243, %concatenate3A, %dot_general3A_249 {dimension_numbers = #tpu.dot_dimension_numbers<[1], [0], [0], [1], [0, 0, 1, 1], [], []>, precision = #tpu.contract_precision<fp32>, transpose_lhs_hint = false} : vector<256x256xf32>, vector<256x8xf32>, vector<256x8xf32> -> vector<256x8xf32>
      %swap3A_251 = arith.index_cast %while3A_91 : i32 to index
      %swap3A_252 = arith.constant 0 : index
      %swap3A_253 = vector.load %arg5[%swap3A_251, %swap3A_252] : memref<2304x8xf32, #tpu.memory_space<vmem>>, vector<256x8xf32>
      tpu.vector_store %arg5[%swap3A_251, %swap3A_252], %dot_general3A_250 {strides = array<i32>} : memref<2304x8xf32, #tpu.memory_space<vmem>>, vector<256x8xf32>,
      %reduce_sum3A = vector.shape_cast %while3A_229#1 : vector<1x256xf32> to vector<1x1x256xf32>
      %reduce_sum3A_254 = arith.constant dense<0.000000e+00> : vector<1xf32>
      %reduce_sum3A_255 = vector.multi_reduction <add>, %reduce_sum3A, %reduce_sum3A_254 [1, 2] : vector<1x1x256xf32> to vector<1xf32>
      %reduce_sum3A_256 = vector.shape_cast %reduce_sum3A_255 : vector<1xf32> to vector<1x1x1xf32>
      %reduce_sum3A_257 = vector.extract %reduce_sum3A_256[0, 0, 0] : f32 from vector<1x1x1xf32>
      %convert_element_type3A_258 = arith.fptosi %reduce_sum3A_257 : f32 to i32
      %add3A_259 = arith.addi %while3A_91, %convert_element_type3A_258 : i32
      %min3A_260 = arith.constant 2000 : i32
      %min3A_261 = arith.minsi %add3A_259, %min3A_260 : i32
      %add3A_262 = arith.constant 1 : i32
      %add3A_263 = arith.addi %while3A_90, %add3A_262 : i32
      scf.yield %add3A_263, %min3A_261 : i32, i32
    }
    %get3A_78 = arith.constant 0 : index
    %get3A_79 = arith.constant 0 : index
    %get3A_80 = vector.load %arg5[%get3A_78, %get3A_79] : memref<2304x8xf32, #tpu.memory_space<vmem>>, vector<2000x5xf32>
    %swap3A_81 = arith.constant 0 : index
    %swap3A_82 = arith.constant 0 : index
    %swap3A_83 = vector.load %arg3[%swap3A_81, %swap3A_82] : memref<2000x5xf32, #tpu.memory_space<vmem>>, vector<2000x5xf32>
    tpu.vector_store %arg3[%swap3A_81, %swap3A_82], %get3A_80 {strides = array<i32>} : memref<2000x5xf32, #tpu.memory_space<vmem>>, vector<2000x5xf32>,
    %get3A_84 = arith.constant 0 : index
    %get3A_85 = arith.constant 5 : index
    %get3A_86 = vector.load %arg5[%get3A_84, %get3A_85] : memref<2304x8xf32, #tpu.memory_space<vmem>>, vector<2000x1xf32>
    %swap3A_87 = arith.constant 0 : index
    %swap3A_88 = arith.constant 0 : index
    %swap3A_89 = vector.load %arg4[%swap3A_87, %swap3A_88] : memref<2000x1xf32, #tpu.memory_space<vmem>>, vector<2000x1xf32>
    tpu.vector_store %arg4[%swap3A_87, %swap3A_88], %get3A_86 {strides = array<i32>} : memref<2000x1xf32, #tpu.memory_space<vmem>>, vector<2000x1xf32>,
    return
  }
}

</mosaic_0001>

<sc_bundles>
// kernel: gather_offload_async_start
scs
__scs_entry_jumppad:
0x0: {  	(pc) =	sbr.rel $0x88, $3  }
0x1: {  	(tag) =	ssettag $0x0;
	lr =	simm.s32 $0x1  }
0x2: {  	[smem:$0x3F9E] =	sst lr;
	_ =	strace $0xD0000000  }
0x3: {  	_ = 	snop  }
0x4: {  	_ = 	snop  }
0x5: {  	_ = 	snop  }
0x6: {  	_ = 	snop  }
0x7: {  	_ = 	snop  }
__scs_overlays_trampoline_lowered:
0x8: {  	[smem:$0x3FAD] =	sst s0  }
0x9: {  	[smem:$0x3FAE] =	sst s1  }
0xa: {  	[smem:$0x3FAF] =	sst s2  }
0xb: {  	[smem:$0x3FB0] =	sst s3  }
0xc: {  	[smem:$0x3FB1] =	sst s4  }
0xd: {  	[smem:$0x3FB2] =	sst s5  }
0xe: {  	[smem:$0x3FB3] =	sst s6  }
0xf: {  	[smem:$0x3FB4] =	sst s7  }
0x10: {  	[smem:$0x3FB5] =	sst s8  }
0x11: {  	[smem:$0x3FB6] =	sst s9;
	s0 =	simm.s32 @!p0 $0x0  }
0x12: {  	s1 =	sld [smem:$0x3F9C];
	s0 =	simm.s32 @p0 $0x1  }
0x13: {  	[smem:$0x3FB7] =	sst s0;
	s0 =	simm.s32 @!p1 $0x0  }
0x14: {  	s2 =	sld [smem:$0x3F9B];
	s0 =	simm.s32 @p1 $0x1  }
0x15: {  	[smem:$0x3FB8] =	sst s0;
	s0 =	simm.s32 @!p2 $0x0  }
0x16: {  	s3 =	sld [smem:$0x3FDB];
	s0 =	simm.s32 @p2 $0x1  }
0x17: {  	s4 =	simm.s32 $0x1BF5;
	[smem:$0x3FBA] =	sst s0  }
0x18: {  	s0 =	sld [smem:$0x3F9D];
	_ =	swait.ge [sflag:s4], $0x0  }
0x19: {  	s7 =	sld [smem:$0x3F9E]  }
0x1a: {  	s8 =	sadd.s32 $0xFFFFE003, lr  }
0x1b: {  	s9 =	sadd.s32 $0xFFFFFEF7, lr;
	s5 =	simm.s32 $0xFFFFFFFF;
	p2 =	slt.u32 s8, $0xFFFFF086  }
0x1c: {  	p1 =	slt.u32 s9, $0xF7A;
	s5 =	simm.s32 @!p2 $0x0  }
0x1d: {  	s5 =	simm.s32 @p1 $0x1;
	p0 =	seq.s32 s7, s2  }
0x1e: {  	s7 =	smul.u32 @!p0 $0xF7A, s2;
	p2 =	seq.s32 @!p0 s5, $0x0  }
0x1f: {  	s9 =	smul.u32 $0xF7A, s1;
	s8 =	simm.s32 @!p0 $0x1BF5;
	p2 =	por !p2, p0  }
0x20: {  	[sflag:s8] =	ssyncset.s32 @!p0 $0xFFFFF086;
	s6 =	sadd.s32 @!p0 s3, s7;
	s7 =	simm.s32 @!p0 $0x108  }
0x21: {  	s3 =	sadd.s32 s3, s9;
	s6 =	sadd.s32 @!p0 $0x88, s6;
	s7 =	simm.s32 @p2 $0x1082  }
0x22: {  	[simem:s7], [sflag:s8] =	dma.local @!p0 [hbm:s6], $0xF7A  }
0x23: {  	s9 =	sor.u32 $0xD0000000, s2;
	s6 =	simm.s32 $0x108;
	_ =	swait.ge @!p0 [sflag:s8], $0x0  }
0x24: {  	s3 =	sadd.s32 $0x88, s3;
	s6 =	simm.s32 @!p1 $0x1082;
	[sflag:s4] =	ssyncset.s32 $0xFFFFF086  }
0x25: {  	[simem:s6], [sflag:s4] =	dma.local [hbm:s3], $0xF7A  }
0x26: {  	[smem:$0x3F9E] =	sst s1;
	(tag) =	ssettag s2;
	_ =	strace s9  }
0x27: {  	s1 =	sld [smem:$0x3FAE]  }
0x28: {  	s2 =	sld [smem:$0x3FAF]  }
0x29: {  	s4 =	sld [smem:$0x3FB1]  }
0x2a: {  	p0 =	seq.s32 s5, $0x0;
	s5 =	sld [smem:$0x3FB2]  }
0x2b: {  	s6 =	sld [smem:$0x3FB3]  }
0x2c: {  	s7 =	sld [smem:$0x3FB4]  }
0x2d: {  	s3 =	simm.s32 $0x108;
	s8 =	sld [smem:$0x3FB5]  }
0x2e: {  	s3 =	simm.s32 @!p0 $0x1082;
	s9 =	sld [smem:$0x3FB6]  }
0x2f: {  	lr =	sadd.s32 s0, s3;
	s0 =	sld [smem:$0x3FAD]  }
0x30: {  	s3 =	sld [smem:$0x3FB0]  }
0x31: {  	[smem:$0x3FB9] =	sst s10  }
0x32: {  	s10 =	sld [smem:$0x3FB7];
	_ =	sdelay $0x3  }
0x33: {  	p0 =	seq.s32 s10, $0x1;
	s10 =	sld [smem:$0x3FB9];
	_ =	sdelay $0x3  }
0x34: {  	[smem:$0x3FB9] =	sst s10  }
0x35: {  	s10 =	sld [smem:$0x3FB8];
	_ =	sdelay $0x3  }
0x36: {  	p1 =	seq.s32 s10, $0x1;
	s10 =	sld [smem:$0x3FB9];
	_ =	sdelay $0x3  }
0x37: {  	[smem:$0x3FB9] =	sst s10  }
0x38: {  	s10 =	sld [smem:$0x3FBA]  }
0x39: {  	_ = 	snop;
	(pc) =	sbr.ind lr, $3  }
0x3a: {  	_ = 	snop  }
0x3b: {  	_ = 	snop  }
0x3c: {  	p2 =	seq.s32 s10, $0x1;
	s10 =	sld [smem:$0x3FB9]  }
0x3d: {  	_ =	shalt  }
0x3e: {  	_ =	shalt  }
0x3f: {  	_ =	shalt  }
0x40: {  	_ =	shalt  }
0x41: {  	_ =	shalt  }
0x42: {  	_ =	shalt  }
0x43: {  	_ =	shalt  }
0x44: {  	_ =	shalt  }
0x45: {  	_ =	shalt  }
0x46: {  	_ =	shalt  }
0x47: {  	_ =	shalt  }
0x48: {  	_ =	shalt  }
0x49: {  	_ =	shalt  }
0x4a: {  	_ =	shalt  }
0x4b: {  	_ =	shalt  }
0x4c: {  	_ =	shalt  }
0x4d: {  	_ =	shalt  }
0x4e: {  	_ =	shalt  }
0x4f: {  	_ =	shalt  }
0x50: {  	_ =	shalt  }
0x51: {  	_ =	shalt  }
0x52: {  	_ =	shalt  }
0x53: {  	_ =	shalt  }
0x54: {  	_ =	shalt  }
0x55: {  	_ =	shalt  }
0x56: {  	_ =	shalt  }
0x57: {  	_ =	shalt  }
0x58: {  	_ =	shalt  }
0x59: {  	_ =	shalt  }
0x5a: {  	_ =	shalt  }
0x5b: {  	_ =	shalt  }
0x5c: {  	_ =	shalt  }
0x5d: {  	_ =	shalt  }
0x5e: {  	_ =	shalt  }
0x5f: {  	_ =	shalt  }
0x60: {  	_ =	shalt  }
0x61: {  	_ =	shalt  }
0x62: {  	_ =	shalt  }
0x63: {  	_ =	shalt  }
0x64: {  	_ =	shalt  }
0x65: {  	_ =	shalt  }
0x66: {  	_ =	shalt  }
0x67: {  	_ =	shalt  }
0x68: {  	_ =	shalt  }
0x69: {  	_ =	shalt  }
0x6a: {  	_ =	shalt  }
0x6b: {  	_ =	shalt  }
0x6c: {  	_ =	shalt  }
0x6d: {  	_ =	shalt  }
0x6e: {  	_ =	shalt  }
0x6f: {  	_ =	shalt  }
0x70: {  	_ =	shalt  }
0x71: {  	_ =	shalt  }
0x72: {  	_ =	shalt  }
0x73: {  	_ =	shalt  }
0x74: {  	_ =	shalt  }
0x75: {  	_ =	shalt  }
0x76: {  	_ =	shalt  }
0x77: {  	_ =	shalt  }
0x78: {  	_ =	shalt  }
0x79: {  	_ =	shalt  }
0x7a: {  	_ =	shalt  }
0x7b: {  	_ =	shalt  }
0x7c: {  	_ =	shalt  }
0x7d: {  	_ =	shalt  }
0x7e: {  	_ =	shalt  }
0x7f: {  	_ =	shalt  }
0x80: {  	_ =	shalt  }
0x81: {  	_ =	shalt  }
0x82: {  	_ =	shalt  }
0x83: {  	_ =	shalt  }
0x84: {  	_ =	shalt  }
0x85: {  	_ =	shalt  }
0x86: {  	_ =	shalt  }
0x87: {  	_ =	shalt  }
.Lfunc_end0:
.L_simem_size_0:
called_computation_lowered:
.L_overlay_start_0:
0x88: {  	s2 =	sld [smem:$0x3FD9]  }
0x89: {  	s3 =	sld [smem:$0x3FFE];
	_ =	sdelay $0x1  }
0x8a: {  	s1 =	srdreg.scid  }
0x8b: {  	s0 =	sand.u32 $0x1, s1  }
0x8c: {  	s14 =	sshll.u32 s0, $0xA;
	s2 =	sadd.s32 s3, s2  }
0x8d: {  	s2 =	sadd.s32 s2, s14  }
0x8e: {  	[smem:$0x3FC5] =	sst s2  }
0x8f: {  	_ = 	snop  }
0x90: {  	s2 =	sld [smem:$0x3FD0];
	_ =	sdelay $0x2  }
0x91: {  	s15 =	simm.s32 $0xA;
	s4 =	simm.s32 $0x10  }
0x92: {  	[smem:s4], [sflag:s15] =	dma.local [hbm:s2], $0x1  }
0x93: {  	_ =	swait.eq [sflag:s15], $0x1  }
0x94: {  	[sflag:s15] =	ssyncset.done $0x0  }
0x95: {  	[sflag:s15] =	ssyncadd.s32 $0xFFFFFFFF  }
0x96: {  	s16 =	sld [smem:$0x10];
	(tm) =	ssettm $0x1  }
0x97: {  	s17 =	sld [smem:$0x3FFB];
	_ =	sdelay $0x3  }
0x98: {  	_ =	strace s17  }
0x99: {  	s3 =	sld [smem:$0x3FFC];
	_ =	sdelay $0x3  }
0x9a: {  	_ =	strace s3  }
0x9b: {  	s3 =	sld [smem:$0x3FFD];
	_ =	sdelay $0x3  }
0x9c: {  	_ =	strace s3  }
0x9d: {  	_ =	strace $0x8FFFFFFF  }
0x9e: {  	s18 =	sld [smem:$0x3FDB];
	_ =	sdelay $0x1  }
0x9f: {  	s19 =	simm.s32 $_scs_section_size  }
0xa0: {  	s5 =	simm.s32 $_size__tile_overlayer_lowered;
	s6 =	simm.s32 $_tile_overlayer_lowered  }
0xa1: {  	s22 =	simm.s32 $0x1BFF;
	s21 =	sshll.u32 s6, $0x1;
	s3 =	sadd.s32 s19, s18  }
0xa2: {  	s7 =	simm.s32 $0x0;
	s20 =	sshll.u32 s5, $0x1;
	s5 =	sadd.s32 s21, s3  }
0xa3: {  	[timem:s7], [sflag:s22] =	dma.local [hbm:s5], s20  }
0xa4: {  	_ =	swait.ge [sflag:s22], s20  }
0xa5: {  	s4 =	ssub.s32 $0x0, s20;
	[sflag:s22] =	ssyncset.done $0x0  }
0xa6: {  	[sflag:s22] =	ssyncadd.s32 s4;
	_ =	sdelay $0x1  }
0xa7: {  	s23 =	simm.s32 $0x1B8B  }
0xa8: {  	_ =	swait.ge [sflag:s23], $0x1  }
0xa9: {  	[sflag:s23] =	ssyncset.done $0x0  }
0xaa: {  	s25 =	simm.s32 $0x1B8E;
	s24 =	sld [smem:$0x3FFE];
	[sflag:s23] =	ssyncadd.s32 $0xFFFFFFFF  }
0xab: {  	s26 =	simm.s32 $execute0_lowered;
	[smem:$0x3FD2] =	sst s25  }
0xac: {  	s5 =	sshll.u32 s26, $0x1;
	_ =	strace $0x80000046;
	[dreg:$0x1] =	wrdreg $0xFFFFFFFF  }
0xad: {  	s28 =	simm.s32 $_size_execute0_lowered;
	s3 =	sadd.s32 s3, s5;
	[dreg:$0x0] =	wrdreg $0x0  }
0xae: {  	s5 =	sshll.u32 s28, $0x1;
	[dreg:$0x2] =	wrdreg s3  }
0xaf: {  	[dreg:$0x3] =	wrdreg s5  }
0xb0: {  	[dreg:$0x4] =	wrdreg $0xC0  }
0xb1: {  	_ =	task [dreg:s7], $0x5FFFF  }
0xb2: {  	[dreg:$0x1] =	wrdreg $0xFFFFFFFF  }
0xb3: {  	[dreg:$0x0] =	wrdreg $0x60  }
0xb4: {  	[dreg:$0x2] =	wrdreg s24  }
0xb5: {  	[dreg:$0x3] =	wrdreg s16  }
0xb6: {  	[dreg:$0x4] =	wrdreg $0x9  }
0xb7: {  	_ =	task.clear_ibuf [dreg:s7], $0x5FFFF;
	_ =	strace $0x90000046  }
0xb8: {  	s29 =	simm.s32 $0x9;
	_ =	strace $0x80000048  }
0xb9: {  	_ =	swait.ge [sflag:s29], $0x1  }
0xba: {  	[sflag:s29] =	ssyncadd.s32 $0xFFFFFFFF  }
0xbb: {  	_ =	strace $0x90000048  }
0xbc: {  	_ =	sfence  }
0xbd: {  	s30 =	sld [smem:$0x0];
	_ =	sdelay $0x2  }
0xbe: {  	s31 =	sshll.u32 s1, $0xD;
	s1 =	sshrl.u32 s1, $0x2  }
0xbf: {  	s3 =	sand.u32 $0x4000, s31;
	s1 =	sadd.s32 s1, s30  }
0xc0: {  	s0 =	sor.u32 s3, s0;
	s1 =	sshll.u32 s1, $0x11  }
0xc1: {  	s0 =	sor.u32 s1, s0  }
0xc2: {  	s0 =	sadd.s32 $0x8F2B, s0  }
0xc3: {  	[sflag:s0] =	ssyncadd.remote.s32 $0x1  }
0xc4: {  	_ =	sfence.sel $0xFFFF  }
0xc5: {  	[dreg:$0x0] =	wrdreg $0xFFFFFFFF;
	(pc) =	sbr.abs _section_cstart, $3  }
0xc6: {  	[dreg:$0x1] =	wrdreg $0xFFFFFFFF  }
0xc7: {  	_ =	task.clear_ibuf [dreg:s7], $0x2FFFF;
	_ =	strace $0x9FFFFFFF  }
0xc8: {  	(tm) =	ssettm $0x7FFFFFFF  }
0xc9: {  	_ =	shalt  }
tec
execute0_lowered:
.L_overlay_start_1:
0x0: {  	(tag) =	ssettag $0x1  }
0x1: {  	s0 =	srdreg.scid  }
0x2: {  	s1 =	sshll.u32 s0, $0x4  }
0x3: {  	s0 =	stileid.u32;
	s1 =	sand.u32 $0x10, s1  }
0x4: {  	s2 =	sor.u32 s0, s1  }
0x5: {  	s1 =	smin.u32 s2, $0x1C  }
0x6: {  	s1 =	sadd.s32 s2, s1  }
0x7: {  	p0 =	slt.u32 s2, $0x1C;
	s2 =	simm.s32 $0x190;
	s1 =	smul.u32 $0xC8, s1  }
0x8: {  	s2 =	simm.s32 @!p0 $0xC8  }
0x9: {  	s2 =	sadd.s32 s2, s1  }
0xa: {  	s3 =	smin.u32 s2, $0x2EE0  }
0xb: {  	s7 =	ssub.s32 s3, s1  }
0xc: {  	p0 =	sgt.s32 s7, $0x0  }
0xd: {  	s7 =	simm.s32 @!p0 $0x0  }
0xe: {  	s31 =	sand.u32 $0xFFF8, s7  }
0xf: {  	s2 =	sshrl.u32 s31, $0x3  }
0x10: {  	s4 =	rddreg [dreg:$0x0];
	s2 =	smul.u32 $0x147B, s2  }
0x11: {  	s5 =	rddreg [dreg:$0x1]  }
0x12: {  	s6 =	simm.s32 $0x1;
	s10 =	simm.s32 $0x3;
	s8 =	sshrl.u32 s2, $0x11  }
0x13: {  	s13 =	simm.s32 $0x0;
	s12 =	simm.s32 $0x0;
	s9 =	smul.u32 $0xC8, s8  }
.Ltmp0:
0x14: {  	s11 =	smov.u32 s1;
	s2 =	rddreg [dreg:$0x2];
	(pc) =	sbr.rel .LBB2_1-.Ltmp0, $4  }
0x15: {  	_ =	strace $0x80000047;
	p0 =	sne.s32 s7, s9;
	s9 =	simm.s32 $0x1  }
0x16: {  	[sflag:s6] =	ssyncpa.u1 $0x0;
	s7 =	simm.s32 $0x2;
	s9 =	simm.s32 @!p0 $0x0  }
0x17: {  	[sflag:s7] =	ssyncpa.u1 $0x0;
	p0 =	por $0x0, $0x0;
	s8 =	sadd.s32 s8, s9  }
0x18: {  	vm0 =	vmmov $0xff;
	vm1 =	vcmask $0x3F20;
	s9 =	sadd.s32 $0x4E400, s4;
	[sflag:s10] =	ssyncpa.u1 $0x0;
	s10 =	sadd.s32 $0x1, s8  }
.LBB2_6:
0x19: {  	[hbm:s17] =	stream.linear.scatter [tilespmem:s14], [sflag:$0x3], $0x400, $0x38;
	[tilespmem:$0xC990] =	vst v63  }
.LBB2_7:
0x1a: {  	s13 =	sadd.s32 $0xC8, s11  }
0x1b: {  	s15 =	smov.u32 s1;
	p2 =	slt.s32 s13, s3  }
0x1c: {  	s15 =	smov.u32 @p2 s13;
	p2 =	sne.s32 s12, s10  }
.Ltmp1:
0x1d: {  	p1 =	slt.u32 s12, $0x2;
	(pc) =	sbr.rel @!p2 .LBB2_8-.Ltmp1, $4  }
0x1e: {  	s14 =	simm.s32 @!p1 $0x3  }
0x1f: {  	s16 =	sadd.s32 $0x1, s12;
	_ =	swait.ge @!p1 [sflag:s14], $0x6400  }
0x20: {  	p0 =	por !p0, !p0;
	s13 =	smov.u32 s11;
	[sflag:s14] =	ssyncset.done @!p1 $0x0  }
0x21: {  	s12 =	smov.u32 s16;
	s11 =	smov.u32 s15;
	[sflag:s14] =	ssyncadd.s32 @!p1 $0xFFFF9C00  }
.LBB2_1:
0x22: {  	p1 =	sge.u32 s12, s8  }
0x23: {  	s14 =	sxor.u32 @!p1 $0xFFFFFFFF, s12  }
0x24: {  	s14 =	sand.u32 @!p1 $0x1, s14  }
0x25: {  	s14 =	smul.u32 @!p1 $0x320, s14  }
0x26: {  	s31 =	sadd.s32 $0xFFFFFFFF, s12;
	s15 =	sshrl.u32 @!p1 s11, $0x3  }
0x27: {  	s16 =	sand.u32 @!p1 $0x7, s11;
	s15 =	sadd.s32 @!p1 s5, s15;
	s14 =	sshrl.u32 @!p1 s14, $0x2  }
0x28: {  	[tilespmem:s14], [sflag:$0x2] =	stream.linear.gather @!p1 [hbm4b:s15+s16], $0xC8, $0x38;
	[tilespmem:$0xC990] =	vst v63  }
0x29: {  	p1 =	sge.u32 s31, s8  }
.Ltmp2:
0x2a: {  	_ = 	snop;
	(pc) =	sbr.rel @p1 .LBB2_7-.Ltmp2, $1  }
0x2b: {  	_ =	sdelay $0x3  }
0x2c: {  	s14 =	simm.s32 $0x1  }
0x2d: {  	s14 =	simm.s32 @!p0 $0x0  }
0x2e: {  	s15 =	smul.u32 $0x320, s14  }
0x2f: {  	_ =	swait.ge [sflag:s7], $0xC8  }
0x30: {  	[sflag:s7] =	ssyncset.done $0x0;
	s16 =	sshrl.u32 s15, $0x2  }
0x31: {  	[sflag:s7] =	ssyncadd.s32 $0xFFFFFF38;
	s15 =	sadd.s32 $0x0, s16  }
0x32: {  	v0 =	vld.msk [tilespmem:s15+$0x0 ss:$0x1], $0xffff;
	_ =	sdelay $0x4  }
0x33: {  	vm2 =	vgt.s32 v0, $0x0  }
0x34: {  	v0 =	vnsel vm2, $0x0, v0  }
0x35: {  	v0 =	vmin.u32 v0, $0x4E1F  }
0x36: {  	v0 =	vshll.u32 v0, $0x4  }
0x37: {  	s14 =	smul.u32 $0x19000, s14  }
0x38: {  	s31 =	sand.u32 $0x1, s12  }
0x39: {  	s17 =	smul.u32 $0x320, s31;
	s14 =	sshrl.u32 s14, $0x2  }
0x3a: {  	s19 =	smul.u32 $0x19000, s31;
	s14 =	sor.u32 $0x190, s14  }
0x3b: {  	[tilespmem:s14], [sflag:$0x1] =	stream.indirect_vreg.gather [hbm:s4], $0x80, v0, vm0, $0x38;
	[tilespmem:$0xC990] =	vst v63  }
0x3c: {  	s18 =	sshrl.u32 s17, $0x2;
	s20 =	sadd.s32 $0x10, s16;
	s15 =	sadd.s32 $0x400, s14  }
0x3d: {  	[tilespmem:s15], [sflag:$0x1] =	stream.indirect_vreg.gather [hbm:s4], $0x80, v0, vm1, $0x38;
	[tilespmem:$0xC990] =	vst v63  }
0x3e: {  	s17 =	sshrl.u32 s19, $0x2;
	s19 =	smov.u32 s14;
	v0 =	vld.msk [tilespmem:s20+$0x0 ss:$0x1], $0xffff;
	s20 =	simm.s32 $0x80  }
.LBB2_3:
0x3f: {  	p1 =	sne.s32 s20, $0x2C0;
	_ =	sdelay $0x4  }
0x40: {  	vm2 =	vgt.s32 v0, $0x0  }
0x41: {  	v0 =	vnsel vm2, $0x0, v0  }
0x42: {  	v0 =	vmin.u32 v0, $0x4E1F  }
0x43: {  	v0 =	vshll.u32 v0, $0x4;
	_ =	sdelay $0x3  }
.Ltmp3:
0x44: {  	s21 =	sshra.s32 s20, $0x2;
	s19 =	sadd.s32 $0x800, s19;
	(pc) =	sbr.rel @p1 .LBB2_3-.Ltmp3, $4  }
0x45: {  	[tilespmem:s19], [sflag:$0x1] =	stream.indirect_vreg.gather [hbm:s4], $0x80, v0, vm0, $0x38;
	[tilespmem:$0xC990] =	vst v63  }
0x46: {  	s21 =	sadd.s32 s21, s16;
	s22 =	sadd.s32 $0x400, s19  }
0x47: {  	[tilespmem:s22], [sflag:$0x1] =	stream.indirect_vreg.gather [hbm:s4], $0x80, v0, vm1, $0x38;
	[tilespmem:$0xC990] =	vst v63  }
0x48: {  	s20 =	sadd.s32 $0x40, s20;
	v0 =	vld.msk [tilespmem:s21+$0x0 ss:$0x1], $0xffff  }
0x49: {  	_ =	sdelay $0x3  }
0x4a: {  	vm2 =	vgt.s32 v0, $0x0  }
0x4b: {  	v0 =	vnsel vm2, $0x0, v0  }
0x4c: {  	v0 =	vmin.u32 v0, $0x4E1F  }
0x4d: {  	v0 =	vshll.u32 v0, $0x4;
	_ =	sdelay $0x3  }
0x4e: {  	s16 =	sadd.s32 $0x800, s19  }
0x4f: {  	[tilespmem:s16], [sflag:$0x1] =	stream.indirect_vreg.gather [hbm:s4], $0x80, v0, vm0, $0x38;
	[tilespmem:$0xC990] =	vst v63  }
0x50: {  	s16 =	sadd.s32 $0x400, s16  }
0x51: {  	[tilespmem:s16], [sflag:$0x1] =	stream.indirect_vreg.gather [hbm:s4], $0x80, v0, vm1, $0x38;
	[tilespmem:$0xC990] =	vst v63  }
0x52: {  	v0 =	vld.msk [tilespmem:s18+$0xC0 ss:$0x1], $0xff;
	_ =	sdelay $0x4  }
0x53: {  	vm2 =	vgt.s32 v0, $0x0  }
0x54: {  	v0 =	vnsel vm2, $0x0, v0  }
0x55: {  	v0 =	vmin.u32 v0, $0x4E1F  }
0x56: {  	v0 =	vshll.u32 v0, $0x4;
	_ =	sdelay $0x3  }
0x57: {  	s31 =	sadd.s32 $0x6190, s17  }
0x58: {  	[tilespmem:s31], [sflag:$0x1] =	stream.indirect_vreg.gather [hbm:s4], $0x80, v0, vm0, $0x38;
	[tilespmem:$0xC990] =	vst v63  }
0x59: {  	s13 =	sshll.u32 s13, $0x4;
	_ =	swait.ge [sflag:s6], $0x6400  }
0x5a: {  	s13 =	sadd.s32 s13, s9;
	[sflag:s6] =	ssyncset.done $0x0  }
0x5b: {  	s17 =	sadd.s32 $0x0, s13;
	s16 =	simm.s32 $0x80;
	[sflag:s6] =	ssyncadd.s32 $0xFFFF9C00  }
.LBB2_5:
0x5c: {  	[hbm:s17] =	stream.linear.scatter [tilespmem:s14], [sflag:$0x3], $0x400, $0x38;
	[tilespmem:$0xC990] =	vst v63  }
0x5d: {  	s17 =	smov.u32 s16;
	s14 =	smov.u32 s15;
	p1 =	sne.s32 s16, $0xC00  }
.Ltmp4:
0x5e: {  	s16 =	sadd.s32 $0x80, s16;
	(pc) =	sbr.rel @p1 .LBB2_5-.Ltmp4, $2  }
0x5f: {  	_ =	sdelay $0x2  }
0x60: {  	s15 =	sadd.s32 $0x400, s15;
	s17 =	sadd.s32 s17, s13  }
.Ltmp5:
0x61: {  	_ = 	snop;
	(pc) =	sbr.rel .LBB2_6-.Ltmp5, $1  }
0x62: {  	_ =	sdelay $0x3  }
.LBB2_8:
0x63: {  	_ =	sfence.sel $0x180000  }
0x64: {  	s1 =	simm.s32 $0x2;
	[bflag:$0x0] =	sbarrier.arrive $0xFFFF  }
0x65: {  	s30 =	simm.s32 $0x3;
	[sflag:s1] =	ssyncpa.u1 $0x1  }
0x66: {  	s31 =	simm.s32 $0x1;
	[sflag:s30] =	ssyncpa.u1 $0x1  }
0x67: {  	[sflag:s31] =	ssyncpa.u1 $0x1  }
0x68: {  	p0 =	sne.s32 s0, $0x0;
	_ =	strace $0x90000047  }
0x69: {  	s0 =	sadd.s32 @!p0 $0x100000, s2;
	[bflag:$0x2] =	sbarrier.arrive $0xFFFF  }
0x6a: {  	[sflag:s0] =	ssyncadd.tile.s32 @!p0 $0x1;
	_ =	shalt  }
.Lfunc_end2:
_tile_overlayer_lowered:
.L_overlay_start_2:
0x6b: {  	(tag) =	ssettag $0x2  }
0x6c: {  	s0 =	rddreg [dreg:$0x0];
	s2 =	stileid.u32  }
0x6d: {  	s1 =	rddreg [dreg:$0x1];
	p0 =	sne.s32 s2, $0x0  }
0x6e: {  	s3 =	rddreg [dreg:$0x2];
	[bflag:$0x3] =	sbarrier.arrive $0xFFFF;
	s2 =	simm.s32 @!p0 $0x1C01  }
0x6f: {  	[timem:s3], [sflag:s2] =	dma.local @!p0 [hbm:s0], s1  }
0x70: {  	s0 =	simm.s32 @!p0 $0x1  }
0x71: {  	_ =	swait.ge @!p0 [sflag:s0], s1  }
0x72: {  	s1 =	ssub.s32 @!p0 $0x0, s1;
	[sflag:s0] =	ssyncset.done @!p0 $0x0  }
0x73: {  	[sflag:s0] =	ssyncadd.s32 @!p0 s1  }
0x74: {  	[bflag:$0x3] =	sbarrier.arrive $0xFFFF  }
0x75: {  	_ =	shalt  }

</sc_bundles>
